<compile_context>
chip_gen: v7x
topology: tpu7x:2x2x1
jax: 0.10.2.dev20260603
libtpu: 0.0.44.dev20260713+nightly
codegen_flags: <defaults>
</compile_context>

<pallas_src>
import functools

import jax
import jax.numpy as jnp
from jax import lax
from jax.experimental import pallas as pl
from jax.experimental.pallas import tpu as pltpu
from jax.experimental.pallas import tpu_sc as plsc

N_SIDE = 100000
N_CORR = 50000
NUM_CORES = 2
NUM_SUBCORES = 16

ROWS = 784
LP = ROWS * 128
TILE_LAB = LP // NUM_SUBCORES
CHUNK = 3136
LAST_OFF = N_CORR - CHUNK

WEIGHT = 1.0
EPS = 1e-8
N_TOTAL = float(2 * N_SIDE)


def _fill(ref, n, val):
    def body(i, carry):
        ref[pl.ds(i * 16, 16)] = jnp.full((16,), val, jnp.float32)
        return carry
    lax.fori_loop(0, n // 16, body, 0)


def _sc_scatter_body(src_idx, tgt_idx, out, shared,
                     idx_a, idx_b, buf_v, ones_v, sem_a, sem_b, sem_z):
    c = lax.axis_index("c")
    s = lax.axis_index("s")
    off = jnp.minimum(s * CHUNK, LAST_OFF)
    cpa = pltpu.async_copy(src_idx.at[pl.ds(off, CHUNK)], idx_a, sem_a)
    cpb = pltpu.async_copy(tgt_idx.at[pl.ds(off, CHUNK)], idx_b, sem_b)
    _fill(buf_v, TILE_LAB, 0.0)
    cpz = pltpu.async_copy(buf_v, shared.at[pl.ds(s * TILE_LAB, TILE_LAB)],
                           sem_z)
    _fill(ones_v, CHUNK, 1.0)
    cpz.wait()
    cpa.wait()
    cpb.wait()
    plsc.subcore_barrier()

    @pl.when(c == 0)
    def _():
        pltpu.sync_copy(ones_v, shared.at[idx_a])

    @pl.when(c == 1)
    def _():
        pltpu.sync_copy(ones_v, shared.at[idx_b])

    plsc.subcore_barrier()
    pltpu.sync_copy(shared.at[pl.ds(s * TILE_LAB, TILE_LAB)],
                    out.at[pl.ds(c * LP + s * TILE_LAB, TILE_LAB)])


@functools.cache
def _sc_scatter():
    return pl.kernel(
        _sc_scatter_body,
        out_type=jax.ShapeDtypeStruct((NUM_CORES * LP,), jnp.float32),
        mesh=plsc.VectorSubcoreMesh(
            core_axis_name="c", subcore_axis_name="s",
            num_cores=NUM_CORES, num_subcores=NUM_SUBCORES),
        scratch_types=[
            pltpu.VMEM_SHARED((LP,), jnp.float32),
            pltpu.VMEM((CHUNK,), jnp.int32),
            pltpu.VMEM((CHUNK,), jnp.int32),
            pltpu.VMEM((TILE_LAB,), jnp.float32),
            pltpu.VMEM((CHUNK,), jnp.float32),
            pltpu.SemaphoreType.DMA,
            pltpu.SemaphoreType.DMA,
            pltpu.SemaphoreType.DMA,
        ],
    )


def _tc_loss_body(ss_ref, ts_ref, lab_ref, lo_ref, pr_ref, re_ref):
    def side_sums(scores, labels):
        pos = labels >= 0.5
        lg = jnp.log(jnp.where(pos, scores, 1.0 - scores))
        a = jnp.sum(jnp.where(pos, lg, 0.0))
        tot = jnp.sum(lg)
        p = jnp.sum(labels)
        pred = scores > 0.5
        cnt = jnp.sum(jnp.where(pred, 1.0, 0.0))
        d = jnp.sum(jnp.where(jnp.logical_and(pred, pos), 1.0, 0.0))
        return p, a, tot - a, cnt, d

    p1, a1, b1, c1, d1 = side_sums(ss_ref[...], lab_ref[pl.ds(0, ROWS), :])
    p2, a2, b2, c2, d2 = side_sums(ts_ref[...], lab_ref[pl.ds(ROWS, ROWS), :])
    p = p1 + p2
    a = a1 + a2
    b = b1 + b2
    cnt = c1 + c2
    d = d1 + d2
    w_neg = p / N_TOTAL
    w_pos = 1.0 - w_neg
    lo_ref[0] = -(w_pos * a + w_neg * b) / N_TOTAL * WEIGHT
    pr_ref[0] = d / (cnt + EPS)
    re_ref[0] = d / (p + EPS)


_tc_loss = pl.pallas_call(
    _tc_loss_body,
    out_shape=(jax.ShapeDtypeStruct((1,), jnp.float32),
               jax.ShapeDtypeStruct((1,), jnp.float32),
               jax.ShapeDtypeStruct((1,), jnp.float32)),
    in_specs=[
        pl.BlockSpec((ROWS, 128), lambda: (0, 0)),
        pl.BlockSpec((ROWS, 128), lambda: (0, 0)),
        pl.BlockSpec((NUM_CORES * ROWS, 128), lambda: (0, 0)),
    ],
    out_specs=(pl.BlockSpec(memory_space=pltpu.SMEM),
               pl.BlockSpec(memory_space=pltpu.SMEM),
               pl.BlockSpec(memory_space=pltpu.SMEM)),
)


def kernel(src_corr_indices, tgt_corr_indices, src_scores, tgt_scores):
    labels = _sc_scatter()(src_corr_indices, tgt_corr_indices)
    labels = labels.reshape(NUM_CORES * ROWS, 128)
    pad = jnp.zeros((LP - N_SIDE,), jnp.float32)
    ss = jnp.concatenate([src_scores, pad]).reshape(ROWS, 128)
    ts = jnp.concatenate([tgt_scores, pad]).reshape(ROWS, 128)
    loss, precision, recall = _tc_loss(ss, ts, labels)
    return loss[0], precision[0], recall[0]

# --- scband reference (transcript-rebuilt; emitter-appended) ---
"""Pipeline reference for scband-overlap-loss-5042291605814 (READ-ONLY COPY).

The authoritative reference and input builder live on the scoring server;
editing this copy changes nothing except your own understanding.
"""

import jax, jax.numpy as jnp
import numpy as np

N_SRC = 100000
N_TGT = 100000
N_CORR = 50000
WEIGHT = 1.0
EPS = 1e-8


def setup_inputs(seed: int = 0) -> dict:
    key = jax.random.key(seed)
    k1, k2, k3, k4 = jax.random.split(key, 4)
    return {
        "src_corr_indices": jax.random.randint(k1, (N_CORR,), 0, N_SRC, dtype=jnp.int32),
        "tgt_corr_indices": jax.random.randint(k2, (N_CORR,), 0, N_TGT, dtype=jnp.int32),
        "src_scores": jax.random.uniform(k3, (N_SRC,), dtype=jnp.float32, minval=1e-4, maxval=1.0 - 1e-4),
        "tgt_scores": jax.random.uniform(k4, (N_TGT,), dtype=jnp.float32, minval=1e-4, maxval=1.0 - 1e-4),
    }


def _weighted_bce_loss(scores, labels):
    # class-balanced BCE (PREDATOR-style WeightedBCELoss):
    # positives weighted by negative fraction and vice versa
    s = jnp.clip(scores, 1e-7, 1.0 - 1e-7)
    bce = -(labels * jnp.log(s) + (1.0 - labels) * jnp.log(1.0 - s))
    n = labels.shape[0]
    w_neg = labels.sum() / n          # fraction of positives -> weight for negatives
    w_pos = 1.0 - w_neg               # fraction of negatives -> weight for positives
    weights = jnp.where(labels >= 0.5, w_pos, w_neg)
    return (weights * bce).mean()


def _evaluate_binary_classification(scores, labels):
    preds = (scores > 0.5).astype(scores.dtype)
    tp = (preds * labels).sum()
    precision = tp / (preds.sum() + EPS)
    recall = tp / (labels.sum() + EPS)
    return precision, recall


def reference(src_corr_indices, tgt_corr_indices, src_scores, tgt_scores):
    src_labels = jnp.zeros_like(src_scores).at[src_corr_indices].set(1.0)
    tgt_labels = jnp.zeros_like(tgt_scores).at[tgt_corr_indices].set(1.0)

    scores = jnp.concatenate([src_scores, tgt_scores], axis=0)
    labels = jnp.concatenate([src_labels, tgt_labels], axis=0)

    loss = _weighted_bce_loss(scores, labels) * WEIGHT
    precision, recall = _evaluate_binary_classification(scores, labels)
    return (loss, precision, recall)

if __name__ == "__main__":
    import jax
    _d = setup_inputs()
    print(jax.jit(kernel)(*tuple(_d.values())))

</pallas_src>

<mosaic_0001>
#map = affine_map<(d0, d1) -> (0)>
module attributes {stable_mosaic.version = 14 : i64} {
  func.func @_sc_scatter_body(%arg0: i32, %arg1: i32, %arg2: memref<50000xi32, #tpu.memory_space<hbm>>, %arg3: memref<50000xi32, #tpu.memory_space<hbm>>, %arg4: memref<200704xf32, #tpu.memory_space<hbm>>, %arg5: memref<100352xf32, #tpu.memory_space<vmem_shared>>, %arg6: memref<3136xi32, #tpu.memory_space<vmem>>, %arg7: memref<3136xi32, #tpu.memory_space<vmem>>, %arg8: memref<6272xf32, #tpu.memory_space<vmem>>, %arg9: memref<3136xf32, #tpu.memory_space<vmem>>, %arg10: memref<!tpu.dma_semaphore, #tpu.memory_space<semaphore_mem>>, %arg11: memref<!tpu.dma_semaphore, #tpu.memory_space<semaphore_mem>>, %arg12: memref<!tpu.dma_semaphore, #tpu.memory_space<semaphore_mem>>) attributes {dimension_semantics = [#tpu.dimension_semantics<core_parallel>, #tpu.dimension_semantics<subcore_parallel>], iteration_bounds = array<i64: 2, 16>, scalar_prefetch = 0 : i64, scratch_operands = 8 : i64, tpu.core_type = #tpu.core_type<sc_vector_subcore>, window_params = [{transform_indices = #map}, {transform_indices = #map}, {transform_indices = #map}]} {
    %mul3A = arith.constant 3136 : i32
    %mul3A_0 = arith.muli %arg1, %mul3A : i32
    %min3A = arith.constant 46864 : i32
    %min3A_1 = arith.minsi %mul3A_0, %min3A : i32
    %dma_start3A = tpu.memref_slice %arg2[%min3A_1] : memref<50000xi32, #tpu.memory_space<hbm>> -> memref<3136xi32, #tpu.memory_space<hbm>>
    %dma_start3A_2 = tpu.memref_slice %arg2[%min3A_1] : memref<50000xi32, #tpu.memory_space<hbm>> -> memref<3136xi32, #tpu.memory_space<hbm>>
    tpu.enqueue_dma source(%dma_start3A_2 : memref<3136xi32, #tpu.memory_space<hbm>>) target(%arg6 : memref<3136xi32, #tpu.memory_space<vmem>>) target_semaphore(%arg10 : memref<!tpu.dma_semaphore, #tpu.memory_space<semaphore_mem>>)
    %dma_start3A_3 = tpu.memref_slice %arg3[%min3A_1] : memref<50000xi32, #tpu.memory_space<hbm>> -> memref<3136xi32, #tpu.memory_space<hbm>>
    %dma_start3A_4 = tpu.memref_slice %arg3[%min3A_1] : memref<50000xi32, #tpu.memory_space<hbm>> -> memref<3136xi32, #tpu.memory_space<hbm>>
    tpu.enqueue_dma source(%dma_start3A_4 : memref<3136xi32, #tpu.memory_space<hbm>>) target(%arg7 : memref<3136xi32, #tpu.memory_space<vmem>>) target_semaphore(%arg11 : memref<!tpu.dma_semaphore, #tpu.memory_space<semaphore_mem>>)
    %scan3A = arith.constant 0 : i32
    %scan3A_5 = arith.constant 0 : i32
    %scan3A_6 = arith.constant 392 : i32
    %scan3A_7 = arith.addi %scan3A_5, %scan3A_6 : i32
    %scan3A_8 = arith.constant 1 : i32
    scf.for %scan3A_39 = %scan3A_5 to %scan3A_7 step %scan3A_8  : i32 {
      %broadcast_in_dim3A = arith.constant 0.000000e+00 : f32
      %broadcast_in_dim3A_40 = vector.broadcast %broadcast_in_dim3A : f32 to vector<16xf32>
      %mul3A_41 = arith.constant 16 : i32
      %mul3A_42 = arith.muli %scan3A_39, %mul3A_41 : i32
      %swap3A = arith.index_cast %mul3A_42 : i32 to index
      %swap3A_43 = tpu.vector_load %arg8[%swap3A] {strides = array<i32>} : memref<6272xf32, #tpu.memory_space<vmem>>, vector<16xf32>,
      %swap3A_44 = vector.shape_cast %swap3A_43 : vector<16xf32> to vector<16xf32>
      %swap3A_45 = vector.shape_cast %broadcast_in_dim3A_40 : vector<16xf32> to vector<16xf32>
      tpu.vector_store %arg8[%swap3A], %swap3A_45 {strides = array<i32>} : memref<6272xf32, #tpu.memory_space<vmem>>, vector<16xf32>,
    }
    %scan3A_9 = arith.constant 392 : i32
    %mul3A_10 = arith.constant 6272 : i32
    %mul3A_11 = arith.muli %arg1, %mul3A_10 : i32
    %dma_start3A_12 = tpu.memref_slice %arg5[%mul3A_11] : memref<100352xf32, #tpu.memory_space<vmem_shared>> -> memref<6272xf32, #tpu.memory_space<vmem_shared>>
    %dma_start3A_13 = tpu.memref_slice %arg5[%mul3A_11] : memref<100352xf32, #tpu.memory_space<vmem_shared>> -> memref<6272xf32, #tpu.memory_space<vmem_shared>>
    tpu.enqueue_dma source(%arg8 : memref<6272xf32, #tpu.memory_space<vmem>>) target(%dma_start3A_13 : memref<6272xf32, #tpu.memory_space<vmem_shared>>) target_semaphore(%arg12 : memref<!tpu.dma_semaphore, #tpu.memory_space<semaphore_mem>>)
    %scan3A_14 = arith.constant 0 : i32
    %scan3A_15 = arith.constant 0 : i32
    %scan3A_16 = arith.constant 196 : i32
    %scan3A_17 = arith.addi %scan3A_15, %scan3A_16 : i32
    %scan3A_18 = arith.constant 1 : i32
    scf.for %scan3A_39 = %scan3A_15 to %scan3A_17 step %scan3A_18  : i32 {
      %broadcast_in_dim3A = arith.constant 1.000000e+00 : f32
      %broadcast_in_dim3A_40 = vector.broadcast %broadcast_in_dim3A : f32 to vector<16xf32>
      %mul3A_41 = arith.constant 16 : i32
      %mul3A_42 = arith.muli %scan3A_39, %mul3A_41 : i32
      %swap3A = arith.index_cast %mul3A_42 : i32 to index
      %swap3A_43 = tpu.vector_load %arg9[%swap3A] {strides = array<i32>} : memref<3136xf32, #tpu.memory_space<vmem>>, vector<16xf32>,
      %swap3A_44 = vector.shape_cast %swap3A_43 : vector<16xf32> to vector<16xf32>
      %swap3A_45 = vector.shape_cast %broadcast_in_dim3A_40 : vector<16xf32> to vector<16xf32>
      tpu.vector_store %arg9[%swap3A], %swap3A_45 {strides = array<i32>} : memref<3136xf32, #tpu.memory_space<vmem>>, vector<16xf32>,
    }
    %scan3A_19 = arith.constant 196 : i32
    %dma_wait3A = tpu.memref_slice %arg5[%mul3A_11] : memref<100352xf32, #tpu.memory_space<vmem_shared>> -> memref<6272xf32, #tpu.memory_space<vmem_shared>>
    %dma_wait3A_20 = tpu.memref_slice %arg5[%mul3A_11] : memref<100352xf32, #tpu.memory_space<vmem_shared>> -> memref<6272xf32, #tpu.memory_space<vmem_shared>>
    tpu.wait_dma2 semaphore(%arg12 : memref<!tpu.dma_semaphore, #tpu.memory_space<semaphore_mem>>) src(%arg8 : memref<6272xf32, #tpu.memory_space<vmem>>) dst(%dma_wait3A_20 : memref<6272xf32, #tpu.memory_space<vmem_shared>>)
    %dma_wait3A_21 = tpu.memref_slice %arg2[%min3A_1] : memref<50000xi32, #tpu.memory_space<hbm>> -> memref<3136xi32, #tpu.memory_space<hbm>>
    %dma_wait3A_22 = tpu.memref_slice %arg2[%min3A_1] : memref<50000xi32, #tpu.memory_space<hbm>> -> memref<3136xi32, #tpu.memory_space<hbm>>
    tpu.wait_dma2 semaphore(%arg10 : memref<!tpu.dma_semaphore, #tpu.memory_space<semaphore_mem>>) src(%dma_wait3A_22 : memref<3136xi32, #tpu.memory_space<hbm>>) dst(%arg6 : memref<3136xi32, #tpu.memory_space<vmem>>)
    %dma_wait3A_23 = tpu.memref_slice %arg3[%min3A_1] : memref<50000xi32, #tpu.memory_space<hbm>> -> memref<3136xi32, #tpu.memory_space<hbm>>
    %dma_wait3A_24 = tpu.memref_slice %arg3[%min3A_1] : memref<50000xi32, #tpu.memory_space<hbm>> -> memref<3136xi32, #tpu.memory_space<hbm>>
    tpu.wait_dma2 semaphore(%arg11 : memref<!tpu.dma_semaphore, #tpu.memory_space<semaphore_mem>>) src(%dma_wait3A_24 : memref<3136xi32, #tpu.memory_space<hbm>>) dst(%arg7 : memref<3136xi32, #tpu.memory_space<vmem>>)
    %barrier3A = arith.constant 0 : index
    tpu.barrier barrier_id(%barrier3A)
    %eq3A = arith.constant 0 : i32
    %eq3A_25 = arith.cmpi eq, %arg0, %eq3A : i32
    %convert_element_type3A = arith.extui %eq3A_25 : i1 to i32
    %cond3A = arith.constant 0 : i32
    %cond3A_26 = arith.cmpi ne, %convert_element_type3A, %cond3A : i32
    scf.if %cond3A_26 {
      "tpu.region"() ({
        %run_scoped3A = tpu.sem_alloc : memref<!tpu.dma_semaphore, #tpu.memory_space<semaphore_mem>>
        %dma_start3A_39 = arith.constant 0 : i32
        %dma_start3A_40 = tpu.memref_slice %arg5[%dma_start3A_39] : memref<100352xf32, #tpu.memory_space<vmem_shared>> -> memref<100352xf32, #tpu.memory_space<vmem_shared>>
        tpu.enqueue_indirect_dma source(%arg9 : memref<3136xf32, #tpu.memory_space<vmem>>) target(%dma_start3A_40 : memref<100352xf32, #tpu.memory_space<vmem_shared>>) offsets(%arg6 : memref<3136xi32, #tpu.memory_space<vmem>>) semaphore(%run_scoped3A : memref<!tpu.dma_semaphore, #tpu.memory_space<semaphore_mem>>)
        %dma_wait3A_41 = arith.constant 0 : i32
        %dma_wait3A_42 = tpu.memref_slice %arg5[%dma_wait3A_41] : memref<100352xf32, #tpu.memory_space<vmem_shared>> -> memref<100352xf32, #tpu.memory_space<vmem_shared>>
        tpu.wait_indirect_dma semaphore(%run_scoped3A : memref<!tpu.dma_semaphore, #tpu.memory_space<semaphore_mem>>) src(%arg9 : memref<3136xf32, #tpu.memory_space<vmem>>) dst(%dma_wait3A_42 : memref<100352xf32, #tpu.memory_space<vmem_shared>>)
        tpu.yield
      }) : () -> ()
    } else {
    }
    %eq3A_27 = arith.constant 1 : i32
    %eq3A_28 = arith.cmpi eq, %arg0, %eq3A_27 : i32
    %convert_element_type3A_29 = arith.extui %eq3A_28 : i1 to i32
    %cond3A_30 = arith.constant 0 : i32
    %cond3A_31 = arith.cmpi ne, %convert_element_type3A_29, %cond3A_30 : i32
    scf.if %cond3A_31 {
      "tpu.region"() ({
        %run_scoped3A = tpu.sem_alloc : memref<!tpu.dma_semaphore, #tpu.memory_space<semaphore_mem>>
        %dma_start3A_39 = arith.constant 0 : i32
        %dma_start3A_40 = tpu.memref_slice %arg5[%dma_start3A_39] : memref<100352xf32, #tpu.memory_space<vmem_shared>> -> memref<100352xf32, #tpu.memory_space<vmem_shared>>
        tpu.enqueue_indirect_dma source(%arg9 : memref<3136xf32, #tpu.memory_space<vmem>>) target(%dma_start3A_40 : memref<100352xf32, #tpu.memory_space<vmem_shared>>) offsets(%arg7 : memref<3136xi32, #tpu.memory_space<vmem>>) semaphore(%run_scoped3A : memref<!tpu.dma_semaphore, #tpu.memory_space<semaphore_mem>>)
        %dma_wait3A_41 = arith.constant 0 : i32
        %dma_wait3A_42 = tpu.memref_slice %arg5[%dma_wait3A_41] : memref<100352xf32, #tpu.memory_space<vmem_shared>> -> memref<100352xf32, #tpu.memory_space<vmem_shared>>
        tpu.wait_indirect_dma semaphore(%run_scoped3A : memref<!tpu.dma_semaphore, #tpu.memory_space<semaphore_mem>>) src(%arg9 : memref<3136xf32, #tpu.memory_space<vmem>>) dst(%dma_wait3A_42 : memref<100352xf32, #tpu.memory_space<vmem_shared>>)
        tpu.yield
      }) : () -> ()
    } else {
    }
    %barrier3A_32 = arith.constant 0 : index
    tpu.barrier barrier_id(%barrier3A_32)
    %mul3A_33 = arith.constant 6272 : i32
    %mul3A_34 = arith.muli %arg1, %mul3A_33 : i32
    %mul3A_35 = arith.constant 100352 : i32
    %mul3A_36 = arith.muli %arg0, %mul3A_35 : i32
    %mul3A_37 = arith.constant 6272 : i32
    %mul3A_38 = arith.muli %arg1, %mul3A_37 : i32
    %add3A = arith.addi %mul3A_36, %mul3A_38 : i32
    "tpu.region"() ({
      %run_scoped3A = tpu.sem_alloc : memref<!tpu.dma_semaphore, #tpu.memory_space<semaphore_mem>>
      %dma_start3A_39 = tpu.memref_slice %arg4[%add3A] : memref<200704xf32, #tpu.memory_space<hbm>> -> memref<6272xf32, #tpu.memory_space<hbm>>
      %dma_start3A_40 = tpu.memref_slice %arg5[%mul3A_34] : memref<100352xf32, #tpu.memory_space<vmem_shared>> -> memref<6272xf32, #tpu.memory_space<vmem_shared>>
      tpu.enqueue_dma source(%dma_start3A_40 : memref<6272xf32, #tpu.memory_space<vmem_shared>>) target(%dma_start3A_39 : memref<6272xf32, #tpu.memory_space<hbm>>) target_semaphore(%run_scoped3A : memref<!tpu.dma_semaphore, #tpu.memory_space<semaphore_mem>>)
      %dma_wait3A_41 = tpu.memref_slice %arg4[%add3A] : memref<200704xf32, #tpu.memory_space<hbm>> -> memref<6272xf32, #tpu.memory_space<hbm>>
      %dma_wait3A_42 = tpu.memref_slice %arg5[%mul3A_34] : memref<100352xf32, #tpu.memory_space<vmem_shared>> -> memref<6272xf32, #tpu.memory_space<vmem_shared>>
      tpu.wait_dma2 semaphore(%run_scoped3A : memref<!tpu.dma_semaphore, #tpu.memory_space<semaphore_mem>>) src(%dma_wait3A_42 : memref<6272xf32, #tpu.memory_space<vmem_shared>>) dst(%dma_wait3A_41 : memref<6272xf32, #tpu.memory_space<hbm>>)
      tpu.yield
    }) : () -> ()
    return
  }
}

module attributes {stable_mosaic.version = 14 : i64} {
  func.func @_tc_loss_body(%arg0: memref<784x128xf32, #tpu.memory_space<vmem>>, %arg1: memref<784x128xf32, #tpu.memory_space<vmem>>, %arg2: memref<1568x128xf32, #tpu.memory_space<vmem>>, %arg3: memref<1xf32, #tpu.memory_space<smem>>, %arg4: memref<1xf32, #tpu.memory_space<smem>>, %arg5: memref<1xf32, #tpu.memory_space<smem>>) attributes {dimension_semantics = [], scalar_prefetch = 0 : i64, scratch_operands = 0 : i64, tpu.core_type = #tpu.core_type<tc>} {
    %get3A = arith.constant 0 : index
    %get3A_0 = arith.constant 0 : index
    %get3A_1 = vector.load %arg0[%get3A, %get3A_0] : memref<784x128xf32, #tpu.memory_space<vmem>>, vector<784x128xf32>
    %get3A_2 = arith.constant 0 : index
    %get3A_3 = arith.constant 0 : index
    %get3A_4 = vector.load %arg2[%get3A_2, %get3A_3] : memref<1568x128xf32, #tpu.memory_space<vmem>>, vector<784x128xf32>
    %ge3A = arith.constant 5.000000e-01 : f32
    %ge3A_5 = vector.broadcast %ge3A : f32 to vector<784x128xf32>
    %ge3A_6 = arith.cmpf oge, %get3A_4, %ge3A_5 : vector<784x128xf32>
    %sub3A = arith.constant 1.000000e+00 : f32
    %sub3A_7 = vector.broadcast %sub3A : f32 to vector<784x128xf32>
    %sub3A_8 = arith.subf %sub3A_7, %get3A_1 : vector<784x128xf32>
    %select_n3A = arith.select %ge3A_6, %get3A_1, %sub3A_8 : vector<784x128xi1>, vector<784x128xf32>
    %log3A = math.log %select_n3A : vector<784x128xf32>
    %jit3A = arith.constant 0.000000e+00 : f32
    %broadcast_in_dim3A = vector.broadcast %jit3A : f32 to vector<784x128xf32>
    %select_n3A_9 = arith.select %ge3A_6, %log3A, %broadcast_in_dim3A : vector<784x128xi1>, vector<784x128xf32>
    %reduce_sum3A = vector.shape_cast %select_n3A_9 : vector<784x128xf32> to vector<1x784x128xf32>
    %reduce_sum3A_10 = arith.constant dense<0.000000e+00> : vector<1xf32>
    %reduce_sum3A_11 = vector.multi_reduction <add>, %reduce_sum3A, %reduce_sum3A_10 [1, 2] : vector<1x784x128xf32> to vector<1xf32>
    %reduce_sum3A_12 = vector.shape_cast %reduce_sum3A_11 : vector<1xf32> to vector<1x1x1xf32>
    %reduce_sum3A_13 = vector.extract %reduce_sum3A_12[0, 0, 0] : f32 from vector<1x1x1xf32>
    %reduce_sum3A_14 = vector.shape_cast %log3A : vector<784x128xf32> to vector<1x784x128xf32>
    %reduce_sum3A_15 = arith.constant dense<0.000000e+00> : vector<1xf32>
    %reduce_sum3A_16 = vector.multi_reduction <add>, %reduce_sum3A_14, %reduce_sum3A_15 [1, 2] : vector<1x784x128xf32> to vector<1xf32>
    %reduce_sum3A_17 = vector.shape_cast %reduce_sum3A_16 : vector<1xf32> to vector<1x1x1xf32>
    %reduce_sum3A_18 = vector.extract %reduce_sum3A_17[0, 0, 0] : f32 from vector<1x1x1xf32>
    %reduce_sum3A_19 = vector.shape_cast %get3A_4 : vector<784x128xf32> to vector<1x784x128xf32>
    %reduce_sum3A_20 = arith.constant dense<0.000000e+00> : vector<1xf32>
    %reduce_sum3A_21 = vector.multi_reduction <add>, %reduce_sum3A_19, %reduce_sum3A_20 [1, 2] : vector<1x784x128xf32> to vector<1xf32>
    %reduce_sum3A_22 = vector.shape_cast %reduce_sum3A_21 : vector<1xf32> to vector<1x1x1xf32>
    %reduce_sum3A_23 = vector.extract %reduce_sum3A_22[0, 0, 0] : f32 from vector<1x1x1xf32>
    %gt3A = arith.constant 5.000000e-01 : f32
    %gt3A_24 = vector.broadcast %gt3A : f32 to vector<784x128xf32>
    %gt3A_25 = arith.cmpf ogt, %get3A_1, %gt3A_24 : vector<784x128xf32>
    %jit3A_26 = arith.constant 1.000000e+00 : f32
    %jit3A_27 = arith.constant 0.000000e+00 : f32
    %broadcast_in_dim3A_28 = vector.broadcast %jit3A_26 : f32 to vector<784x128xf32>
    %broadcast_in_dim3A_29 = vector.broadcast %jit3A_27 : f32 to vector<784x128xf32>
    %select_n3A_30 = arith.select %gt3A_25, %broadcast_in_dim3A_28, %broadcast_in_dim3A_29 : vector<784x128xi1>, vector<784x128xf32>
    %reduce_sum3A_31 = vector.shape_cast %select_n3A_30 : vector<784x128xf32> to vector<1x784x128xf32>
    %reduce_sum3A_32 = arith.constant dense<0.000000e+00> : vector<1xf32>
    %reduce_sum3A_33 = vector.multi_reduction <add>, %reduce_sum3A_31, %reduce_sum3A_32 [1, 2] : vector<1x784x128xf32> to vector<1xf32>
    %reduce_sum3A_34 = vector.shape_cast %reduce_sum3A_33 : vector<1xf32> to vector<1x1x1xf32>
    %reduce_sum3A_35 = vector.extract %reduce_sum3A_34[0, 0, 0] : f32 from vector<1x1x1xf32>
    %and3A = arith.andi %gt3A_25, %ge3A_6 : vector<784x128xi1>
    %jit3A_36 = arith.constant 1.000000e+00 : f32
    %jit3A_37 = arith.constant 0.000000e+00 : f32
    %broadcast_in_dim3A_38 = vector.broadcast %jit3A_36 : f32 to vector<784x128xf32>
    %broadcast_in_dim3A_39 = vector.broadcast %jit3A_37 : f32 to vector<784x128xf32>
    %select_n3A_40 = arith.select %and3A, %broadcast_in_dim3A_38, %broadcast_in_dim3A_39 : vector<784x128xi1>, vector<784x128xf32>
    %reduce_sum3A_41 = vector.shape_cast %select_n3A_40 : vector<784x128xf32> to vector<1x784x128xf32>
    %reduce_sum3A_42 = arith.constant dense<0.000000e+00> : vector<1xf32>
    %reduce_sum3A_43 = vector.multi_reduction <add>, %reduce_sum3A_41, %reduce_sum3A_42 [1, 2] : vector<1x784x128xf32> to vector<1xf32>
    %reduce_sum3A_44 = vector.shape_cast %reduce_sum3A_43 : vector<1xf32> to vector<1x1x1xf32>
    %reduce_sum3A_45 = vector.extract %reduce_sum3A_44[0, 0, 0] : f32 from vector<1x1x1xf32>
    %sub3A_46 = arith.subf %reduce_sum3A_18, %reduce_sum3A_13 : f32
    %get3A_47 = arith.constant 0 : index
    %get3A_48 = arith.constant 0 : index
    %get3A_49 = vector.load %arg1[%get3A_47, %get3A_48] : memref<784x128xf32, #tpu.memory_space<vmem>>, vector<784x128xf32>
    %get3A_50 = arith.constant 784 : index
    %get3A_51 = arith.constant 0 : index
    %get3A_52 = vector.load %arg2[%get3A_50, %get3A_51] : memref<1568x128xf32, #tpu.memory_space<vmem>>, vector<784x128xf32>
    %ge3A_53 = arith.constant 5.000000e-01 : f32
    %ge3A_54 = vector.broadcast %ge3A_53 : f32 to vector<784x128xf32>
    %ge3A_55 = arith.cmpf oge, %get3A_52, %ge3A_54 : vector<784x128xf32>
    %sub3A_56 = arith.constant 1.000000e+00 : f32
    %sub3A_57 = vector.broadcast %sub3A_56 : f32 to vector<784x128xf32>
    %sub3A_58 = arith.subf %sub3A_57, %get3A_49 : vector<784x128xf32>
    %select_n3A_59 = arith.select %ge3A_55, %get3A_49, %sub3A_58 : vector<784x128xi1>, vector<784x128xf32>
    %log3A_60 = math.log %select_n3A_59 : vector<784x128xf32>
    %jit3A_61 = arith.constant 0.000000e+00 : f32
    %broadcast_in_dim3A_62 = vector.broadcast %jit3A_61 : f32 to vector<784x128xf32>
    %select_n3A_63 = arith.select %ge3A_55, %log3A_60, %broadcast_in_dim3A_62 : vector<784x128xi1>, vector<784x128xf32>
    %reduce_sum3A_64 = vector.shape_cast %select_n3A_63 : vector<784x128xf32> to vector<1x784x128xf32>
    %reduce_sum3A_65 = arith.constant dense<0.000000e+00> : vector<1xf32>
    %reduce_sum3A_66 = vector.multi_reduction <add>, %reduce_sum3A_64, %reduce_sum3A_65 [1, 2] : vector<1x784x128xf32> to vector<1xf32>
    %reduce_sum3A_67 = vector.shape_cast %reduce_sum3A_66 : vector<1xf32> to vector<1x1x1xf32>
    %reduce_sum3A_68 = vector.extract %reduce_sum3A_67[0, 0, 0] : f32 from vector<1x1x1xf32>
    %reduce_sum3A_69 = vector.shape_cast %log3A_60 : vector<784x128xf32> to vector<1x784x128xf32>
    %reduce_sum3A_70 = arith.constant dense<0.000000e+00> : vector<1xf32>
    %reduce_sum3A_71 = vector.multi_reduction <add>, %reduce_sum3A_69, %reduce_sum3A_70 [1, 2] : vector<1x784x128xf32> to vector<1xf32>
    %reduce_sum3A_72 = vector.shape_cast %reduce_sum3A_71 : vector<1xf32> to vector<1x1x1xf32>
    %reduce_sum3A_73 = vector.extract %reduce_sum3A_72[0, 0, 0] : f32 from vector<1x1x1xf32>
    %reduce_sum3A_74 = vector.shape_cast %get3A_52 : vector<784x128xf32> to vector<1x784x128xf32>
    %reduce_sum3A_75 = arith.constant dense<0.000000e+00> : vector<1xf32>
    %reduce_sum3A_76 = vector.multi_reduction <add>, %reduce_sum3A_74, %reduce_sum3A_75 [1, 2] : vector<1x784x128xf32> to vector<1xf32>
    %reduce_sum3A_77 = vector.shape_cast %reduce_sum3A_76 : vector<1xf32> to vector<1x1x1xf32>
    %reduce_sum3A_78 = vector.extract %reduce_sum3A_77[0, 0, 0] : f32 from vector<1x1x1xf32>
    %gt3A_79 = arith.constant 5.000000e-01 : f32
    %gt3A_80 = vector.broadcast %gt3A_79 : f32 to vector<784x128xf32>
    %gt3A_81 = arith.cmpf ogt, %get3A_49, %gt3A_80 : vector<784x128xf32>
    %jit3A_82 = arith.constant 1.000000e+00 : f32
    %jit3A_83 = arith.constant 0.000000e+00 : f32
    %broadcast_in_dim3A_84 = vector.broadcast %jit3A_82 : f32 to vector<784x128xf32>
    %broadcast_in_dim3A_85 = vector.broadcast %jit3A_83 : f32 to vector<784x128xf32>
    %select_n3A_86 = arith.select %gt3A_81, %broadcast_in_dim3A_84, %broadcast_in_dim3A_85 : vector<784x128xi1>, vector<784x128xf32>
    %reduce_sum3A_87 = vector.shape_cast %select_n3A_86 : vector<784x128xf32> to vector<1x784x128xf32>
    %reduce_sum3A_88 = arith.constant dense<0.000000e+00> : vector<1xf32>
    %reduce_sum3A_89 = vector.multi_reduction <add>, %reduce_sum3A_87, %reduce_sum3A_88 [1, 2] : vector<1x784x128xf32> to vector<1xf32>
    %reduce_sum3A_90 = vector.shape_cast %reduce_sum3A_89 : vector<1xf32> to vector<1x1x1xf32>
    %reduce_sum3A_91 = vector.extract %reduce_sum3A_90[0, 0, 0] : f32 from vector<1x1x1xf32>
    %and3A_92 = arith.andi %gt3A_81, %ge3A_55 : vector<784x128xi1>
    %jit3A_93 = arith.constant 1.000000e+00 : f32
    %jit3A_94 = arith.constant 0.000000e+00 : f32
    %broadcast_in_dim3A_95 = vector.broadcast %jit3A_93 : f32 to vector<784x128xf32>
    %broadcast_in_dim3A_96 = vector.broadcast %jit3A_94 : f32 to vector<784x128xf32>
    %select_n3A_97 = arith.select %and3A_92, %broadcast_in_dim3A_95, %broadcast_in_dim3A_96 : vector<784x128xi1>, vector<784x128xf32>
    %reduce_sum3A_98 = vector.shape_cast %select_n3A_97 : vector<784x128xf32> to vector<1x784x128xf32>
    %reduce_sum3A_99 = arith.constant dense<0.000000e+00> : vector<1xf32>
    %reduce_sum3A_100 = vector.multi_reduction <add>, %reduce_sum3A_98, %reduce_sum3A_99 [1, 2] : vector<1x784x128xf32> to vector<1xf32>
    %reduce_sum3A_101 = vector.shape_cast %reduce_sum3A_100 : vector<1xf32> to vector<1x1x1xf32>
    %reduce_sum3A_102 = vector.extract %reduce_sum3A_101[0, 0, 0] : f32 from vector<1x1x1xf32>
    %sub3A_103 = arith.subf %reduce_sum3A_73, %reduce_sum3A_68 : f32
    %add3A = arith.addf %reduce_sum3A_23, %reduce_sum3A_78 : f32
    %add3A_104 = arith.addf %reduce_sum3A_13, %reduce_sum3A_68 : f32
    %add3A_105 = arith.addf %sub3A_46, %sub3A_103 : f32
    %add3A_106 = arith.addf %reduce_sum3A_35, %reduce_sum3A_91 : f32
    %add3A_107 = arith.addf %reduce_sum3A_45, %reduce_sum3A_102 : f32
    %div3A = arith.constant 2.000000e+05 : f32
    %div3A_108 = arith.divf %add3A, %div3A : f32
    %sub3A_109 = arith.constant 1.000000e+00 : f32
    %sub3A_110 = arith.subf %sub3A_109, %div3A_108 : f32
    %mul3A = arith.mulf %sub3A_110, %add3A_104 : f32
    %mul3A_111 = arith.mulf %div3A_108, %add3A_105 : f32
    %add3A_112 = arith.addf %mul3A, %mul3A_111 : f32
    %neg3A = arith.constant 0.000000e+00 : f32
    %neg3A_113 = arith.subf %neg3A, %add3A_112 : f32
    %div3A_114 = arith.constant 2.000000e+05 : f32
    %div3A_115 = arith.divf %neg3A_113, %div3A_114 : f32
    %mul3A_116 = arith.constant 1.000000e+00 : f32
    %mul3A_117 = arith.mulf %div3A_115, %mul3A_116 : f32
    %swap3A = arith.constant 0 : index
    %swap3A_118 = memref.load %arg3[%swap3A] : memref<1xf32, #tpu.memory_space<smem>>
    memref.store %mul3A_117, %arg3[%swap3A] : memref<1xf32, #tpu.memory_space<smem>>
    %add3A_119 = arith.constant 9.99999993E-9 : f32
    %add3A_120 = arith.addf %add3A_106, %add3A_119 : f32
    %div3A_121 = arith.divf %add3A_107, %add3A_120 : f32
    %swap3A_122 = arith.constant 0 : index
    %swap3A_123 = memref.load %arg4[%swap3A_122] : memref<1xf32, #tpu.memory_space<smem>>
    memref.store %div3A_121, %arg4[%swap3A_122] : memref<1xf32, #tpu.memory_space<smem>>
    %add3A_124 = arith.constant 9.99999993E-9 : f32
    %add3A_125 = arith.addf %add3A, %add3A_124 : f32
    %div3A_126 = arith.divf %add3A_107, %add3A_125 : f32
    %swap3A_127 = arith.constant 0 : index
    %swap3A_128 = memref.load %arg5[%swap3A_127] : memref<1xf32, #tpu.memory_space<smem>>
    memref.store %div3A_126, %arg5[%swap3A_127] : memref<1xf32, #tpu.memory_space<smem>>
    return
  }
}

</mosaic_0001>

<sc_bundles>
// kernel: kernel.4.cloned.1.call-start
scs
__scs_entry_jumppad:
0x0: {  	(pc) =	sbr.rel $0x88, $3  }
0x1: {  	(tag) =	ssettag $0x0;
	lr =	simm.s32 $0x1  }
0x2: {  	[smem:$0x3F9D] =	sst lr;
	_ =	strace $0xD0000000  }
0x3: {  	_ = 	snop  }
0x4: {  	_ = 	snop  }
0x5: {  	_ = 	snop  }
0x6: {  	_ = 	snop  }
0x7: {  	_ = 	snop  }
__scs_overlays_trampoline_lowered:
0x8: {  	[smem:$0x3FAC] =	sst s0  }
0x9: {  	[smem:$0x3FAD] =	sst s1  }
0xa: {  	[smem:$0x3FAE] =	sst s2  }
0xb: {  	[smem:$0x3FAF] =	sst s3  }
0xc: {  	[smem:$0x3FB0] =	sst s4  }
0xd: {  	[smem:$0x3FB1] =	sst s5  }
0xe: {  	[smem:$0x3FB2] =	sst s6  }
0xf: {  	[smem:$0x3FB3] =	sst s7  }
0x10: {  	[smem:$0x3FB4] =	sst s8  }
0x11: {  	[smem:$0x3FB5] =	sst s9;
	s0 =	simm.s32 @!p0 $0x0  }
0x12: {  	s1 =	sld [smem:$0x3F9B];
	s0 =	simm.s32 @p0 $0x1  }
0x13: {  	[smem:$0x3FB6] =	sst s0;
	s0 =	simm.s32 @!p1 $0x0  }
0x14: {  	s2 =	sld [smem:$0x3F9A];
	s0 =	simm.s32 @p1 $0x1  }
0x15: {  	[smem:$0x3FB7] =	sst s0;
	s0 =	simm.s32 @!p2 $0x0  }
0x16: {  	s3 =	sld [smem:$0x3FDB];
	s0 =	simm.s32 @p2 $0x1  }
0x17: {  	s4 =	simm.s32 $0x1BF5;
	[smem:$0x3FB9] =	sst s0  }
0x18: {  	s0 =	sld [smem:$0x3F9C];
	_ =	swait.ge [sflag:s4], $0x0  }
0x19: {  	s7 =	sld [smem:$0x3F9D]  }
0x1a: {  	s8 =	sadd.s32 $0xFFFFE003, lr  }
0x1b: {  	s9 =	sadd.s32 $0xFFFFFEF7, lr;
	s5 =	simm.s32 $0xFFFFFFFF;
	p2 =	slt.u32 s8, $0xFFFFF086  }
0x1c: {  	p1 =	slt.u32 s9, $0xF7A;
	s5 =	simm.s32 @!p2 $0x0  }
0x1d: {  	s5 =	simm.s32 @p1 $0x1;
	p0 =	seq.s32 s7, s2  }
0x1e: {  	s7 =	smul.u32 @!p0 $0xF7A, s2;
	p2 =	seq.s32 @!p0 s5, $0x0  }
0x1f: {  	s9 =	smul.u32 $0xF7A, s1;
	s8 =	simm.s32 @!p0 $0x1BF5;
	p2 =	por !p2, p0  }
0x20: {  	[sflag:s8] =	ssyncset.s32 @!p0 $0xFFFFF086;
	s6 =	sadd.s32 @!p0 s3, s7;
	s7 =	simm.s32 @!p0 $0x108  }
0x21: {  	s3 =	sadd.s32 s3, s9;
	s6 =	sadd.s32 @!p0 $0x88, s6;
	s7 =	simm.s32 @p2 $0x1082  }
0x22: {  	[simem:s7], [sflag:s8] =	dma.local @!p0 [hbm:s6], $0xF7A  }
0x23: {  	s9 =	sor.u32 $0xD0000000, s2;
	s6 =	simm.s32 $0x108;
	_ =	swait.ge @!p0 [sflag:s8], $0x0  }
0x24: {  	s3 =	sadd.s32 $0x88, s3;
	s6 =	simm.s32 @!p1 $0x1082;
	[sflag:s4] =	ssyncset.s32 $0xFFFFF086  }
0x25: {  	[simem:s6], [sflag:s4] =	dma.local [hbm:s3], $0xF7A  }
0x26: {  	[smem:$0x3F9D] =	sst s1;
	(tag) =	ssettag s2;
	_ =	strace s9  }
0x27: {  	s1 =	sld [smem:$0x3FAD]  }
0x28: {  	s2 =	sld [smem:$0x3FAE]  }
0x29: {  	s4 =	sld [smem:$0x3FB0]  }
0x2a: {  	p0 =	seq.s32 s5, $0x0;
	s5 =	sld [smem:$0x3FB1]  }
0x2b: {  	s6 =	sld [smem:$0x3FB2]  }
0x2c: {  	s7 =	sld [smem:$0x3FB3]  }
0x2d: {  	s3 =	simm.s32 $0x108;
	s8 =	sld [smem:$0x3FB4]  }
0x2e: {  	s3 =	simm.s32 @!p0 $0x1082;
	s9 =	sld [smem:$0x3FB5]  }
0x2f: {  	lr =	sadd.s32 s0, s3;
	s0 =	sld [smem:$0x3FAC]  }
0x30: {  	s3 =	sld [smem:$0x3FAF]  }
0x31: {  	[smem:$0x3FB8] =	sst s10  }
0x32: {  	s10 =	sld [smem:$0x3FB6];
	_ =	sdelay $0x3  }
0x33: {  	p0 =	seq.s32 s10, $0x1;
	s10 =	sld [smem:$0x3FB8];
	_ =	sdelay $0x3  }
0x34: {  	[smem:$0x3FB8] =	sst s10  }
0x35: {  	s10 =	sld [smem:$0x3FB7];
	_ =	sdelay $0x3  }
0x36: {  	p1 =	seq.s32 s10, $0x1;
	s10 =	sld [smem:$0x3FB8];
	_ =	sdelay $0x3  }
0x37: {  	[smem:$0x3FB8] =	sst s10  }
0x38: {  	s10 =	sld [smem:$0x3FB9]  }
0x39: {  	_ = 	snop;
	(pc) =	sbr.ind lr, $3  }
0x3a: {  	_ = 	snop  }
0x3b: {  	_ = 	snop  }
0x3c: {  	p2 =	seq.s32 s10, $0x1;
	s10 =	sld [smem:$0x3FB8]  }
0x3d: {  	_ =	shalt  }
0x3e: {  	_ =	shalt  }
0x3f: {  	_ =	shalt  }
0x40: {  	_ =	shalt  }
0x41: {  	_ =	shalt  }
0x42: {  	_ =	shalt  }
0x43: {  	_ =	shalt  }
0x44: {  	_ =	shalt  }
0x45: {  	_ =	shalt  }
0x46: {  	_ =	shalt  }
0x47: {  	_ =	shalt  }
0x48: {  	_ =	shalt  }
0x49: {  	_ =	shalt  }
0x4a: {  	_ =	shalt  }
0x4b: {  	_ =	shalt  }
0x4c: {  	_ =	shalt  }
0x4d: {  	_ =	shalt  }
0x4e: {  	_ =	shalt  }
0x4f: {  	_ =	shalt  }
0x50: {  	_ =	shalt  }
0x51: {  	_ =	shalt  }
0x52: {  	_ =	shalt  }
0x53: {  	_ =	shalt  }
0x54: {  	_ =	shalt  }
0x55: {  	_ =	shalt  }
0x56: {  	_ =	shalt  }
0x57: {  	_ =	shalt  }
0x58: {  	_ =	shalt  }
0x59: {  	_ =	shalt  }
0x5a: {  	_ =	shalt  }
0x5b: {  	_ =	shalt  }
0x5c: {  	_ =	shalt  }
0x5d: {  	_ =	shalt  }
0x5e: {  	_ =	shalt  }
0x5f: {  	_ =	shalt  }
0x60: {  	_ =	shalt  }
0x61: {  	_ =	shalt  }
0x62: {  	_ =	shalt  }
0x63: {  	_ =	shalt  }
0x64: {  	_ =	shalt  }
0x65: {  	_ =	shalt  }
0x66: {  	_ =	shalt  }
0x67: {  	_ =	shalt  }
0x68: {  	_ =	shalt  }
0x69: {  	_ =	shalt  }
0x6a: {  	_ =	shalt  }
0x6b: {  	_ =	shalt  }
0x6c: {  	_ =	shalt  }
0x6d: {  	_ =	shalt  }
0x6e: {  	_ =	shalt  }
0x6f: {  	_ =	shalt  }
0x70: {  	_ =	shalt  }
0x71: {  	_ =	shalt  }
0x72: {  	_ =	shalt  }
0x73: {  	_ =	shalt  }
0x74: {  	_ =	shalt  }
0x75: {  	_ =	shalt  }
0x76: {  	_ =	shalt  }
0x77: {  	_ =	shalt  }
0x78: {  	_ =	shalt  }
0x79: {  	_ =	shalt  }
0x7a: {  	_ =	shalt  }
0x7b: {  	_ =	shalt  }
0x7c: {  	_ =	shalt  }
0x7d: {  	_ =	shalt  }
0x7e: {  	_ =	shalt  }
0x7f: {  	_ =	shalt  }
0x80: {  	_ =	shalt  }
0x81: {  	_ =	shalt  }
0x82: {  	_ =	shalt  }
0x83: {  	_ =	shalt  }
0x84: {  	_ =	shalt  }
0x85: {  	_ =	shalt  }
0x86: {  	_ =	shalt  }
0x87: {  	_ =	shalt  }
.Lfunc_end0:
.L_simem_size_0:
called_computation_lowered:
.L_overlay_start_0:
0x88: {  	s2 =	sld [smem:$0x3FD9]  }
0x89: {  	s3 =	sld [smem:$0x3FFE];
	_ =	sdelay $0x1  }
0x8a: {  	s1 =	srdreg.scid  }
0x8b: {  	s0 =	sand.u32 $0x1, s1  }
0x8c: {  	s17 =	sshll.u32 s0, $0xA;
	s2 =	sadd.s32 s3, s2  }
0x8d: {  	s2 =	sadd.s32 s2, s17  }
0x8e: {  	[smem:$0x3FC4] =	sst s2  }
0x8f: {  	_ = 	snop  }
0x90: {  	s2 =	sld [smem:$0x3FC9]  }
0x91: {  	s18 =	sld [smem:$0x3FC8];
	(tm) =	ssettm $0x1  }
0x92: {  	s4 =	sld [smem:$0x3FFB];
	_ =	sdelay $0x3  }
0x93: {  	_ =	strace s4  }
0x94: {  	s4 =	sld [smem:$0x3FFC];
	_ =	sdelay $0x3  }
0x95: {  	_ =	strace s4  }
0x96: {  	s4 =	sld [smem:$0x3FFD];
	_ =	sdelay $0x3  }
0x97: {  	_ =	strace s4  }
0x98: {  	_ =	strace $0x8FFFFFFF  }
0x99: {  	s19 =	sld [smem:$0x3FDB];
	_ =	sdelay $0x1  }
0x9a: {  	s5 =	simm.s32 $_scs_section_size  }
0x9b: {  	s6 =	simm.s32 $_size__tile_overlayer_lowered;
	s7 =	simm.s32 $_tile_overlayer_lowered  }
0x9c: {  	s22 =	simm.s32 $0x1BFF;
	s21 =	sshll.u32 s7, $0x1;
	s4 =	sadd.s32 s5, s19  }
0x9d: {  	s8 =	simm.s32 $0x0;
	s20 =	sshll.u32 s6, $0x1;
	s6 =	sadd.s32 s21, s4  }
0x9e: {  	[timem:s8], [sflag:s22] =	dma.local [hbm:s6], s20  }
0x9f: {  	_ =	swait.ge [sflag:s22], s20  }
0xa0: {  	s5 =	ssub.s32 $0x0, s20;
	[sflag:s22] =	ssyncset.done $0x0  }
0xa1: {  	[sflag:s22] =	ssyncadd.s32 s5;
	_ =	sdelay $0x1  }
0xa2: {  	s23 =	simm.s32 $0x1B8B  }
0xa3: {  	_ =	swait.ge [sflag:s23], $0x1  }
0xa4: {  	[sflag:s23] =	ssyncset.done $0x0  }
0xa5: {  	s25 =	simm.s32 $0x1B8E;
	s24 =	sld [smem:$0x3FFE];
	[sflag:s23] =	ssyncadd.s32 $0xFFFFFFFF  }
0xa6: {  	s26 =	simm.s32 $execute0_lowered;
	[smem:$0x3FD2] =	sst s25  }
0xa7: {  	s6 =	sshll.u32 s26, $0x1;
	_ =	strace $0x80000046;
	[dreg:$0x1] =	wrdreg $0xFFFFFFFF  }
0xa8: {  	s28 =	simm.s32 $_size_execute0_lowered;
	s4 =	sadd.s32 s4, s6;
	[dreg:$0x0] =	wrdreg $0x0  }
0xa9: {  	s6 =	sshll.u32 s28, $0x1;
	[dreg:$0x2] =	wrdreg s4  }
0xaa: {  	[dreg:$0x3] =	wrdreg s6  }
0xab: {  	[dreg:$0x4] =	wrdreg $0xC0  }
0xac: {  	_ =	task [dreg:s8], $0x5FFFF  }
0xad: {  	[dreg:$0x1] =	wrdreg $0xFFFFFFFF  }
0xae: {  	[dreg:$0x0] =	wrdreg $0x60  }
0xaf: {  	[dreg:$0x2] =	wrdreg s2  }
0xb0: {  	[dreg:$0x3] =	wrdreg s18  }
0xb1: {  	[dreg:$0x4] =	wrdreg s24  }
0xb2: {  	[dreg:$0x5] =	wrdreg $0x0  }
0xb3: {  	[dreg:$0x6] =	wrdreg $0x9  }
0xb4: {  	_ =	task.clear_ibuf [dreg:s8], $0x7FFFF;
	_ =	strace $0x90000046  }
0xb5: {  	s29 =	simm.s32 $0x9;
	_ =	strace $0x80000048  }
0xb6: {  	_ =	swait.ge [sflag:s29], $0x1  }
0xb7: {  	[sflag:s29] =	ssyncadd.s32 $0xFFFFFFFF  }
0xb8: {  	_ =	strace $0x90000048  }
0xb9: {  	_ =	sfence  }
0xba: {  	s30 =	sld [smem:$0x0];
	_ =	sdelay $0x2  }
0xbb: {  	s31 =	sshll.u32 s1, $0xD;
	s1 =	sshrl.u32 s1, $0x2  }
0xbc: {  	s3 =	sand.u32 $0x4000, s31;
	s1 =	sadd.s32 s1, s30  }
0xbd: {  	s0 =	sor.u32 s3, s0;
	s1 =	sshll.u32 s1, $0x11  }
0xbe: {  	s0 =	sor.u32 s1, s0  }
0xbf: {  	s0 =	sadd.s32 $0x8F2B, s0  }
0xc0: {  	[sflag:s0] =	ssyncadd.remote.s32 $0x1  }
0xc1: {  	_ =	sfence.sel $0xFFFF  }
0xc2: {  	[dreg:$0x0] =	wrdreg $0xFFFFFFFF;
	(pc) =	sbr.abs _section_cstart, $3  }
0xc3: {  	[dreg:$0x1] =	wrdreg $0xFFFFFFFF  }
0xc4: {  	_ =	task.clear_ibuf [dreg:s8], $0x2FFFF;
	_ =	strace $0x9FFFFFFF  }
0xc5: {  	(tm) =	ssettm $0x7FFFFFFF  }
tec
execute0_lowered:
.L_overlay_start_1:
0x0: {  	(tag) =	ssettag $0x1  }
0x1: {  	s4 =	rddreg [dreg:$0x0]  }
0x2: {  	s5 =	rddreg [dreg:$0x1]  }
0x3: {  	s6 =	rddreg [dreg:$0x2];
	s1 =	srdreg.scid  }
0x4: {  	s0 =	stileid.u32;
	s2 =	rddreg [dreg:$0x3];
	s3 =	simm.s32 $0x0  }
0x5: {  	s13 =	simm.s32 $0x3;
	s14 =	simm.s32 $0x1;
	s15 =	simm.s32 $0x2  }
0x6: {  	s16 =	simm.s32 $0xC40;
	s17 =	simm.s32 $0x4A00;
	s18 =	simm.s32 $0x4  }
0x7: {  	s7 =	sand.u32 $0x1, s1;
	s8 =	smul.u32 $0x1880, s0;
	s1 =	rddreg [dreg:$0x4]  }
0x8: {  	s21 =	simm.s32 $0x0;
	[smem:$0x7FF] =	sst s3;
	s10 =	smul.u32 $0xC40, s0  }
0x9: {  	s19 =	sshll.u32 s0, $0x6;
	s9 =	smul.u32 $0x18800, s7;
	_ =	strace $0x80000047  }
0xa: {  	s11 =	ssub.s32 $0x2, s7;
	p0 =	seq.s32 s7, $0x1;
	s19 =	sor.u32 $0x1C04, s19  }
0xb: {  	s12 =	sshrl.u32 s11, $0x1;
	s10 =	smin.u32 s10, $0xB710;
	s9 =	sadd.s32 s8, s9  }
0xc: {  	s11 =	ssub.s32 s11, s12;
	s31 =	sshrl.u32 s10, $0x3;
	s10 =	simm.s32 $0x2500  }
0xd: {  	s12 =	simm.s32 $0x3180;
	s9 =	sshrl.u32 s9, $0x3;
	s4 =	sadd.s32 s4, s31  }
0xe: {  	s5 =	sadd.s32 s5, s31;
	s9 =	sadd.s32 s9, s6;
	s6 =	sadd.s32 s8, s2  }
0xf: {  	s8 =	simm.s32 $0x2500;
	s7 =	sadd.s32 $0xE00, s9;
	s9 =	smax.u32 s11, $0x1  }
0x10: {  	v0 =	vimm.f32 $0.0e+00;
	v1 =	vimm.f32 $1.000000000e+00;
	s8 =	simm.s32 @!p0 $0x1880;
	s11 =	simm.s32 $0x1880;
	s20 =	sshrl.u32 s6, $0x3  }
.LBB2_1:
0x11: {  	[tilespmem:s11], [sflag:$0x1] =	stream.linear.gather [hbm4b:s4+s3], $0xC40, $0x38;
	[tilespmem:$0x5680] =	vst v63  }
0x12: {  	s22 =	simm.s32 $0x40;
	s23 =	simm.s32 $0x0  }
0x13: {  	[tilespmem:s10], [sflag:$0x2] =	stream.linear.gather [hbm4b:s5+s3], $0xC40, $0x38;
	[tilespmem:$0x5680] =	vst v63  }
.LBB2_2:
0x14: {  	p0 =	sne.s32 s22, $0x61C0;
	[tilespmem:s23+$0x3180] =	vst v0;
	s23 =	smov.u32 s22;
	s22 =	sadd.s32 $0x40, s22  }
.Ltmp0:
0x15: {  	(pc) =	sbr.rel @p0 .LBB2_2-.Ltmp0, $2  }
0x16: {  	_ =	sdelay $0x2  }
0x17: {  	s23 =	sshra.s32 s23, $0x2  }
0x18: {  	[tilespmem:s23+$0x3180] =	vst v0;
	s22 =	simm.s32 $0x40;
	s23 =	simm.s32 $0x0  }
0x19: {  	[spmem:s6] =	stream.linear.scatter [tilespmem:s12], [sflag:$0x3], $0x1880, $0x38;
	[tilespmem:$0x5680] =	vst v63  }
.LBB2_4:
0x1a: {  	p0 =	sne.s32 s22, $0x30C0;
	[tilespmem:s23+$0x4A00] =	vst v1;
	s23 =	smov.u32 s22;
	s22 =	sadd.s32 $0x40, s22  }
.Ltmp1:
0x1b: {  	(pc) =	sbr.rel @p0 .LBB2_4-.Ltmp1, $2  }
0x1c: {  	_ =	sdelay $0x2  }
0x1d: {  	s23 =	sshra.s32 s23, $0x2  }
0x1e: {  	[tilespmem:s23+$0x4A00] =	vst v1  }
0x1f: {  	_ =	swait.ge [sflag:s13], $0x1880  }
0x20: {  	[sflag:s13] =	ssyncset.done $0x0  }
0x21: {  	[sflag:s13] =	ssyncadd.s32 $0xFFFFE780  }
0x22: {  	_ =	swait.ge [sflag:s14], $0xC40  }
0x23: {  	[sflag:s14] =	ssyncset.done $0x0  }
0x24: {  	[sflag:s14] =	ssyncadd.s32 $0xFFFFF3C0  }
0x25: {  	_ =	swait.ge [sflag:s15], $0xC40  }
0x26: {  	[sflag:s15] =	ssyncset.done $0x0  }
0x27: {  	[sflag:s15] =	ssyncadd.s32 $0xFFFFF3C0  }
0x28: {  	[bflag:$0x0] =	sbarrier.arrive $0xFFFF  }
0x29: {  	[spmem:s2] =	stream.indirect.scatter [tilespmem:s17], [sflag:$0x4], $0x1, s8, s16, $0xb8;
	[tilespmem:$0x5680] =	vst v63  }
0x2a: {  	_ =	swait.ge [sflag:s18], $0xC40  }
0x2b: {  	s21 =	sadd.s32 $0x1, s21;
	[sflag:s18] =	ssyncset.done $0x0  }
0x2c: {  	p0 =	sne.s32 s21, s9;
	[sflag:s18] =	ssyncadd.s32 $0xFFFFF3C0  }
.Ltmp2:
0x2d: {  	[bflag:$0x0] =	sbarrier.arrive $0xFFFF;
	(pc) =	sbr.rel @p0 .LBB2_1-.Ltmp2, $4  }
0x2e: {  	[hbm:s7], [sflag:s19] =	dma.local [spmem:s20], $0x310  }
0x2f: {  	_ =	swait.ge [sflag:s18], $0x310  }
0x30: {  	[sflag:s18] =	ssyncset.done $0x0  }
0x31: {  	[sflag:s18] =	ssyncadd.s32 $0xFFFFFCF0  }
0x32: {  	_ =	sfence.sel $0x180000  }
0x33: {  	[bflag:$0x0] =	sbarrier.arrive $0xFFFF  }
0x34: {  	p0 =	sne.s32 s0, $0x0;
	_ =	strace $0x90000047  }
0x35: {  	s0 =	sadd.s32 @!p0 $0x100000, s1;
	[bflag:$0x2] =	sbarrier.arrive $0xFFFF  }
0x36: {  	[sflag:s0] =	ssyncadd.tile.s32 @!p0 $0x1;
	_ =	shalt  }
.Lfunc_end2:
_tile_overlayer_lowered:
.L_overlay_start_2:
0x37: {  	(tag) =	ssettag $0x2  }
0x38: {  	s0 =	rddreg [dreg:$0x0];
	s2 =	stileid.u32  }
0x39: {  	s1 =	rddreg [dreg:$0x1];
	p0 =	sne.s32 s2, $0x0  }
0x3a: {  	s3 =	rddreg [dreg:$0x2];
	[bflag:$0x3] =	sbarrier.arrive $0xFFFF;
	s2 =	simm.s32 @!p0 $0x1C04  }
0x3b: {  	[timem:s3], [sflag:s2] =	dma.local @!p0 [hbm:s0], s1  }
0x3c: {  	s0 =	simm.s32 @!p0 $0x4  }
0x3d: {  	_ =	swait.ge @!p0 [sflag:s0], s1  }
0x3e: {  	s1 =	ssub.s32 @!p0 $0x0, s1;
	[sflag:s0] =	ssyncset.done @!p0 $0x0  }
0x3f: {  	[sflag:s0] =	ssyncadd.s32 @!p0 s1  }
0x40: {  	[bflag:$0x3] =	sbarrier.arrive $0xFFFF  }
0x41: {  	_ =	shalt  }

</sc_bundles>
